<compile_context>
chip_gen: v7x
topology: tpu7x:2x2x1
jax: 0.10.2.dev20260603
libtpu: 0.0.44.dev20260713+nightly
codegen_flags: <defaults>
</compile_context>

<pallas_src>
import functools

import jax
import jax.numpy as jnp
from jax import lax
from jax.experimental import pallas as pl
from jax.experimental.pallas import tpu as pltpu
from jax.experimental.pallas import tpu_sc as plsc

DIM = 4096
NUM_CORES = 2
NUM_SUBCORES = 16
NUM_WORKERS = NUM_CORES * NUM_SUBCORES
CHUNK = 8
NBUF = 3


@functools.partial(jax.jit, static_argnums=(2, 3))
def _gather_sc(idx, pe, b_per_w, n_chunks):
    mesh = plsc.VectorSubcoreMesh(
        core_axis_name="c", subcore_axis_name="s", num_cores=NUM_CORES
    )
    n_main = (n_chunks // NBUF) * NBUF if n_chunks % NBUF else n_chunks - NBUF
    while n_chunks - n_main < NBUF - 1:
        n_main -= NBUF

    @functools.partial(
        pl.kernel,
        out_type=jax.ShapeDtypeStruct((NUM_WORKERS * b_per_w, DIM), jnp.float32),
        mesh=mesh,
        compiler_params=pltpu.CompilerParams(use_tc_tiling_on_sc=True),
        scratch_types=[
            pltpu.VMEM((n_chunks, CHUNK), jnp.int32),
            *([pltpu.VMEM((CHUNK, DIM), jnp.float32)] * NBUF),
            *([pltpu.SemaphoreType.DMA] * (2 * NBUF)),
        ],
    )
    def k(idx_hbm, table_hbm, out_hbm, idx_v, *bufs_and_sems):
        bufs = bufs_and_sems[:NBUF]
        gsem = bufs_and_sems[NBUF : 2 * NBUF]
        ssem = bufs_and_sems[2 * NBUF :]

        wid = lax.axis_index("s") * NUM_CORES + lax.axis_index("c")
        base = wid * b_per_w

        pltpu.sync_copy(idx_hbm.at[wid], idx_v)

        def start_gather(j, b):
            pltpu.async_copy(table_hbm.at[idx_v.at[j]], bufs[b], gsem[b])

        def wait_gather(j, b):
            pltpu.make_async_copy(table_hbm.at[idx_v.at[j]], bufs[b], gsem[b]).wait()

        def start_scatter(j, b):
            pltpu.async_copy(bufs[b], out_hbm.at[pl.ds(base + j * CHUNK, CHUNK)], ssem[b])

        def wait_scatter(b):
            pltpu.make_async_copy(bufs[b], out_hbm.at[pl.ds(base, CHUNK)], ssem[b]).wait()

        start_gather(0, 0)
        start_gather(1, 1)

        def body(i, carry):
            j0 = i * NBUF
            for kk in range(NBUF):
                j = j0 + kk
                b = kk
                pf = (kk + 2) % NBUF
                wait_gather(j, b)
                start_scatter(j, b)
                if kk == 0:
                    @pl.when(i > 0)
                    def _():
                        wait_scatter(pf)
                else:
                    wait_scatter(pf)
                start_gather(j + 2, pf)
            return carry

        lax.fori_loop(0, n_main // NBUF, body, 0)

        for j in range(n_main, n_chunks):
            b = j % NBUF
            if j >= n_main + 2:
                wait_scatter(b)
                start_gather(j, b)
            wait_gather(j, b)
            start_scatter(j, b)

        for j in range(n_chunks - NBUF, n_chunks):
            wait_scatter(j % NBUF)

    return k(idx, pe)


def kernel(t, pe):
    batch, seq = t.shape
    total = batch * seq
    b_per_w = total // NUM_WORKERS
    n_chunks = b_per_w // CHUNK
    idx = t.astype(jnp.int32).reshape(NUM_WORKERS, n_chunks, CHUNK)
    out = _gather_sc(idx, pe, b_per_w, n_chunks)
    return out.reshape(batch, seq, DIM)

# --- scband reference (transcript-rebuilt; emitter-appended) ---
"""Pipeline reference for scband-sinusoidal-position-encoding-61108794687917 (READ-ONLY COPY).

The authoritative reference and input builder live on the scoring server;
editing this copy changes nothing except your own understanding.
"""

import jax, jax.numpy as jnp
import numpy as np
import math

DIM = 4096
MAX_LEN = 10000
BATCH = 4
SEQ = 8192

def _build_pe():
    position = np.arange(MAX_LEN, dtype=np.float32)[:, None]
    div_term = np.exp(np.arange(0, DIM, 2, dtype=np.float32) * -(math.log(10000.0) / DIM))
    pe = np.zeros((MAX_LEN, DIM), dtype=np.float32)
    pe[:, 0::2] = np.sin(position * div_term)
    pe[:, 1::2] = np.cos(position * div_term)
    return jnp.asarray(pe)

def setup_inputs(seed: int = 0) -> dict:
    key = jax.random.key(seed)
    k_t, = jax.random.split(key, 1)
    t = jax.random.randint(k_t, (BATCH, SEQ), 0, MAX_LEN, dtype=jnp.int64 if jax.config.jax_enable_x64 else jnp.int32)
    pe = _build_pe()
    return {"t": t, "pe": pe}

def reference(t, pe):
    # pe[t]: gather rows of the sinusoidal table by position index
    return jnp.take(pe, t, axis=0)

if __name__ == "__main__":
    import jax
    _d = setup_inputs()
    print(jax.jit(kernel)(*tuple(_d.values())))

</pallas_src>

<mosaic_0001>
#map = affine_map<(d0, d1) -> (0, 0, 0)>
#map1 = affine_map<(d0, d1) -> (0, 0)>
module attributes {stable_mosaic.version = 14 : i64} {
  func.func @k(%arg0: i32, %arg1: i32, %arg2: memref<32x128x8xi32, #tpu.memory_space<hbm>>, %arg3: memref<10000x4096xf32, #tpu.memory_space<hbm>>, %arg4: memref<32768x4096xf32, #tpu.memory_space<hbm>>, %arg5: memref<128x8xi32, #tpu.memory_space<vmem>>, %arg6: memref<8x4096xf32, #tpu.memory_space<vmem>>, %arg7: memref<8x4096xf32, #tpu.memory_space<vmem>>, %arg8: memref<8x4096xf32, #tpu.memory_space<vmem>>, %arg9: memref<!tpu.dma_semaphore, #tpu.memory_space<semaphore_mem>>, %arg10: memref<!tpu.dma_semaphore, #tpu.memory_space<semaphore_mem>>, %arg11: memref<!tpu.dma_semaphore, #tpu.memory_space<semaphore_mem>>, %arg12: memref<!tpu.dma_semaphore, #tpu.memory_space<semaphore_mem>>, %arg13: memref<!tpu.dma_semaphore, #tpu.memory_space<semaphore_mem>>, %arg14: memref<!tpu.dma_semaphore, #tpu.memory_space<semaphore_mem>>) attributes {dimension_semantics = [#tpu.dimension_semantics<core_parallel>, #tpu.dimension_semantics<subcore_parallel>], iteration_bounds = array<i64: 2, 16>, scalar_prefetch = 0 : i64, scratch_operands = 10 : i64, tpu.core_type = #tpu.core_type<sc_vector_subcore>, window_params = [{transform_indices = #map}, {transform_indices = #map1}, {transform_indices = #map1}]} {
    %mul3A = arith.constant 2 : i32
    %mul3A_0 = arith.muli %arg1, %mul3A : i32
    %add3A = arith.addi %mul3A_0, %arg0 : i32
    %mul3A_1 = arith.constant 1024 : i32
    %mul3A_2 = arith.muli %add3A, %mul3A_1 : i32
    "tpu.region"() ({
      %run_scoped3A = tpu.sem_alloc : memref<!tpu.dma_semaphore, #tpu.memory_space<semaphore_mem>>
      %dma_start3A_58 = arith.constant 0 : i32
      %dma_start3A_59 = arith.constant 0 : i32
      %dma_start3A_60 = tpu.memref_slice %arg2[%add3A, %dma_start3A_58, %dma_start3A_59] : memref<32x128x8xi32, #tpu.memory_space<hbm>> -> memref<1x128x8xi32, #tpu.memory_space<hbm>>
      %dma_start3A_61 = tpu.memref_squeeze %dma_start3A_60 : memref<1x128x8xi32, #tpu.memory_space<hbm>> -> memref<128x8xi32, #tpu.memory_space<hbm>>
      %dma_start3A_62 = arith.constant 0 : i32
      %dma_start3A_63 = arith.constant 0 : i32
      %dma_start3A_64 = tpu.memref_slice %arg2[%add3A, %dma_start3A_62, %dma_start3A_63] : memref<32x128x8xi32, #tpu.memory_space<hbm>> -> memref<1x128x8xi32, #tpu.memory_space<hbm>>
      %dma_start3A_65 = tpu.memref_squeeze %dma_start3A_64 : memref<1x128x8xi32, #tpu.memory_space<hbm>> -> memref<128x8xi32, #tpu.memory_space<hbm>>
      tpu.enqueue_dma source(%dma_start3A_65 : memref<128x8xi32, #tpu.memory_space<hbm>>) target(%arg5 : memref<128x8xi32, #tpu.memory_space<vmem>>) target_semaphore(%run_scoped3A : memref<!tpu.dma_semaphore, #tpu.memory_space<semaphore_mem>>)
      %dma_wait3A_66 = arith.constant 0 : i32
      %dma_wait3A_67 = arith.constant 0 : i32
      %dma_wait3A_68 = tpu.memref_slice %arg2[%add3A, %dma_wait3A_66, %dma_wait3A_67] : memref<32x128x8xi32, #tpu.memory_space<hbm>> -> memref<1x128x8xi32, #tpu.memory_space<hbm>>
      %dma_wait3A_69 = tpu.memref_squeeze %dma_wait3A_68 : memref<1x128x8xi32, #tpu.memory_space<hbm>> -> memref<128x8xi32, #tpu.memory_space<hbm>>
      %dma_wait3A_70 = arith.constant 0 : i32
      %dma_wait3A_71 = arith.constant 0 : i32
      %dma_wait3A_72 = tpu.memref_slice %arg2[%add3A, %dma_wait3A_70, %dma_wait3A_71] : memref<32x128x8xi32, #tpu.memory_space<hbm>> -> memref<1x128x8xi32, #tpu.memory_space<hbm>>
      %dma_wait3A_73 = tpu.memref_squeeze %dma_wait3A_72 : memref<1x128x8xi32, #tpu.memory_space<hbm>> -> memref<128x8xi32, #tpu.memory_space<hbm>>
      tpu.wait_dma2 semaphore(%run_scoped3A : memref<!tpu.dma_semaphore, #tpu.memory_space<semaphore_mem>>) src(%dma_wait3A_73 : memref<128x8xi32, #tpu.memory_space<hbm>>) dst(%arg5 : memref<128x8xi32, #tpu.memory_space<vmem>>)
      tpu.yield
    }) : () -> ()
    %dma_start3A = arith.constant 0 : i32
    %dma_start3A_3 = arith.constant 0 : i32
    %dma_start3A_4 = tpu.memref_slice %arg5[%dma_start3A, %dma_start3A_3] : memref<128x8xi32, #tpu.memory_space<vmem>> -> memref<1x8xi32, #tpu.memory_space<vmem>>
    %dma_start3A_5 = tpu.memref_squeeze %dma_start3A_4 : memref<1x8xi32, #tpu.memory_space<vmem>> -> memref<8xi32, #tpu.memory_space<vmem>>
    %dma_start3A_6 = arith.constant 0 : i32
    %dma_start3A_7 = arith.constant 0 : i32
    %dma_start3A_8 = tpu.memref_slice %arg3[%dma_start3A_6, %dma_start3A_7] : memref<10000x4096xf32, #tpu.memory_space<hbm>> -> memref<10000x4096xf32, #tpu.memory_space<hbm>>
    tpu.enqueue_indirect_dma source(%dma_start3A_8 : memref<10000x4096xf32, #tpu.memory_space<hbm>>) target(%arg6 : memref<8x4096xf32, #tpu.memory_space<vmem>>) offsets(%dma_start3A_5 : memref<8xi32, #tpu.memory_space<vmem>>) semaphore(%arg9 : memref<!tpu.dma_semaphore, #tpu.memory_space<semaphore_mem>>)
    %dma_start3A_9 = arith.constant 1 : i32
    %dma_start3A_10 = arith.constant 0 : i32
    %dma_start3A_11 = tpu.memref_slice %arg5[%dma_start3A_9, %dma_start3A_10] : memref<128x8xi32, #tpu.memory_space<vmem>> -> memref<1x8xi32, #tpu.memory_space<vmem>>
    %dma_start3A_12 = tpu.memref_squeeze %dma_start3A_11 : memref<1x8xi32, #tpu.memory_space<vmem>> -> memref<8xi32, #tpu.memory_space<vmem>>
    %dma_start3A_13 = arith.constant 0 : i32
    %dma_start3A_14 = arith.constant 0 : i32
    %dma_start3A_15 = tpu.memref_slice %arg3[%dma_start3A_13, %dma_start3A_14] : memref<10000x4096xf32, #tpu.memory_space<hbm>> -> memref<10000x4096xf32, #tpu.memory_space<hbm>>
    tpu.enqueue_indirect_dma source(%dma_start3A_15 : memref<10000x4096xf32, #tpu.memory_space<hbm>>) target(%arg7 : memref<8x4096xf32, #tpu.memory_space<vmem>>) offsets(%dma_start3A_12 : memref<8xi32, #tpu.memory_space<vmem>>) semaphore(%arg10 : memref<!tpu.dma_semaphore, #tpu.memory_space<semaphore_mem>>)
    %scan3A = arith.constant 0 : i32
    %scan3A_16 = arith.constant 0 : i32
    %scan3A_17 = arith.constant 42 : i32
    %scan3A_18 = arith.addi %scan3A_16, %scan3A_17 : i32
    %scan3A_19 = arith.constant 1 : i32
    scf.for %scan3A_58 = %scan3A_16 to %scan3A_18 step %scan3A_19  : i32 {
      %mul3A_59 = arith.constant 3 : i32
      %mul3A_60 = arith.muli %scan3A_58, %mul3A_59 : i32
      %add3A_61 = arith.constant 0 : i32
      %add3A_62 = arith.addi %mul3A_60, %add3A_61 : i32
      %dma_wait3A_63 = arith.constant 0 : i32
      %dma_wait3A_64 = tpu.memref_slice %arg5[%add3A_62, %dma_wait3A_63] : memref<128x8xi32, #tpu.memory_space<vmem>> -> memref<1x8xi32, #tpu.memory_space<vmem>>
      %dma_wait3A_65 = tpu.memref_squeeze %dma_wait3A_64 : memref<1x8xi32, #tpu.memory_space<vmem>> -> memref<8xi32, #tpu.memory_space<vmem>>
      %dma_wait3A_66 = arith.constant 0 : i32
      %dma_wait3A_67 = arith.constant 0 : i32
      %dma_wait3A_68 = tpu.memref_slice %arg3[%dma_wait3A_66, %dma_wait3A_67] : memref<10000x4096xf32, #tpu.memory_space<hbm>> -> memref<10000x4096xf32, #tpu.memory_space<hbm>>
      tpu.wait_indirect_dma semaphore(%arg9 : memref<!tpu.dma_semaphore, #tpu.memory_space<semaphore_mem>>) src(%dma_wait3A_68 : memref<10000x4096xf32, #tpu.memory_space<hbm>>) dst(%arg6 : memref<8x4096xf32, #tpu.memory_space<vmem>>)
      %mul3A_69 = arith.constant 8 : i32
      %mul3A_70 = arith.muli %add3A_62, %mul3A_69 : i32
      %add3A_71 = arith.addi %mul3A_2, %mul3A_70 : i32
      %dma_start3A_72 = arith.constant 0 : i32
      %dma_start3A_73 = tpu.memref_slice %arg4[%add3A_71, %dma_start3A_72] : memref<32768x4096xf32, #tpu.memory_space<hbm>> -> memref<8x4096xf32, #tpu.memory_space<hbm>>
      %dma_start3A_74 = arith.constant 0 : i32
      %dma_start3A_75 = tpu.memref_slice %arg4[%add3A_71, %dma_start3A_74] : memref<32768x4096xf32, #tpu.memory_space<hbm>> -> memref<8x4096xf32, #tpu.memory_space<hbm>>
      tpu.enqueue_dma source(%arg6 : memref<8x4096xf32, #tpu.memory_space<vmem>>) target(%dma_start3A_75 : memref<8x4096xf32, #tpu.memory_space<hbm>>) target_semaphore(%arg12 : memref<!tpu.dma_semaphore, #tpu.memory_space<semaphore_mem>>)
      %gt3A = arith.constant 0 : i32
      %gt3A_76 = arith.cmpi sgt, %scan3A_58, %gt3A : i32
      %convert_element_type3A = arith.extui %gt3A_76 : i1 to i32
      %cond3A = arith.constant 0 : i32
      %cond3A_77 = arith.cmpi ne, %convert_element_type3A, %cond3A : i32
      scf.if %cond3A_77 {
        %dma_wait3A_140 = arith.constant 0 : i32
        %dma_wait3A_141 = tpu.memref_slice %arg4[%mul3A_2, %dma_wait3A_140] : memref<32768x4096xf32, #tpu.memory_space<hbm>> -> memref<8x4096xf32, #tpu.memory_space<hbm>>
        %dma_wait3A_142 = arith.constant 0 : i32
        %dma_wait3A_143 = tpu.memref_slice %arg4[%mul3A_2, %dma_wait3A_142] : memref<32768x4096xf32, #tpu.memory_space<hbm>> -> memref<8x4096xf32, #tpu.memory_space<hbm>>
        tpu.wait_dma2 semaphore(%arg14 : memref<!tpu.dma_semaphore, #tpu.memory_space<semaphore_mem>>) src(%arg8 : memref<8x4096xf32, #tpu.memory_space<vmem>>) dst(%dma_wait3A_143 : memref<8x4096xf32, #tpu.memory_space<hbm>>)
      } else {
      }
      %add3A_78 = arith.constant 2 : i32
      %add3A_79 = arith.addi %add3A_62, %add3A_78 : i32
      %dma_start3A_80 = arith.constant 0 : i32
      %dma_start3A_81 = tpu.memref_slice %arg5[%add3A_79, %dma_start3A_80] : memref<128x8xi32, #tpu.memory_space<vmem>> -> memref<1x8xi32, #tpu.memory_space<vmem>>
      %dma_start3A_82 = tpu.memref_squeeze %dma_start3A_81 : memref<1x8xi32, #tpu.memory_space<vmem>> -> memref<8xi32, #tpu.memory_space<vmem>>
      %dma_start3A_83 = arith.constant 0 : i32
      %dma_start3A_84 = arith.constant 0 : i32
      %dma_start3A_85 = tpu.memref_slice %arg3[%dma_start3A_83, %dma_start3A_84] : memref<10000x4096xf32, #tpu.memory_space<hbm>> -> memref<10000x4096xf32, #tpu.memory_space<hbm>>
      tpu.enqueue_indirect_dma source(%dma_start3A_85 : memref<10000x4096xf32, #tpu.memory_space<hbm>>) target(%arg8 : memref<8x4096xf32, #tpu.memory_space<vmem>>) offsets(%dma_start3A_82 : memref<8xi32, #tpu.memory_space<vmem>>) semaphore(%arg11 : memref<!tpu.dma_semaphore, #tpu.memory_space<semaphore_mem>>)
      %add3A_86 = arith.constant 1 : i32
      %add3A_87 = arith.addi %mul3A_60, %add3A_86 : i32
      %dma_wait3A_88 = arith.constant 0 : i32
      %dma_wait3A_89 = tpu.memref_slice %arg5[%add3A_87, %dma_wait3A_88] : memref<128x8xi32, #tpu.memory_space<vmem>> -> memref<1x8xi32, #tpu.memory_space<vmem>>
      %dma_wait3A_90 = tpu.memref_squeeze %dma_wait3A_89 : memref<1x8xi32, #tpu.memory_space<vmem>> -> memref<8xi32, #tpu.memory_space<vmem>>
      %dma_wait3A_91 = arith.constant 0 : i32
      %dma_wait3A_92 = arith.constant 0 : i32
      %dma_wait3A_93 = tpu.memref_slice %arg3[%dma_wait3A_91, %dma_wait3A_92] : memref<10000x4096xf32, #tpu.memory_space<hbm>> -> memref<10000x4096xf32, #tpu.memory_space<hbm>>
      tpu.wait_indirect_dma semaphore(%arg10 : memref<!tpu.dma_semaphore, #tpu.memory_space<semaphore_mem>>) src(%dma_wait3A_93 : memref<10000x4096xf32, #tpu.memory_space<hbm>>) dst(%arg7 : memref<8x4096xf32, #tpu.memory_space<vmem>>)
      %mul3A_94 = arith.constant 8 : i32
      %mul3A_95 = arith.muli %add3A_87, %mul3A_94 : i32
      %add3A_96 = arith.addi %mul3A_2, %mul3A_95 : i32
      %dma_start3A_97 = arith.constant 0 : i32
      %dma_start3A_98 = tpu.memref_slice %arg4[%add3A_96, %dma_start3A_97] : memref<32768x4096xf32, #tpu.memory_space<hbm>> -> memref<8x4096xf32, #tpu.memory_space<hbm>>
      %dma_start3A_99 = arith.constant 0 : i32
      %dma_start3A_100 = tpu.memref_slice %arg4[%add3A_96, %dma_start3A_99] : memref<32768x4096xf32, #tpu.memory_space<hbm>> -> memref<8x4096xf32, #tpu.memory_space<hbm>>
      tpu.enqueue_dma source(%arg7 : memref<8x4096xf32, #tpu.memory_space<vmem>>) target(%dma_start3A_100 : memref<8x4096xf32, #tpu.memory_space<hbm>>) target_semaphore(%arg13 : memref<!tpu.dma_semaphore, #tpu.memory_space<semaphore_mem>>)
      %dma_wait3A_101 = arith.constant 0 : i32
      %dma_wait3A_102 = tpu.memref_slice %arg4[%mul3A_2, %dma_wait3A_101] : memref<32768x4096xf32, #tpu.memory_space<hbm>> -> memref<8x4096xf32, #tpu.memory_space<hbm>>
      %dma_wait3A_103 = arith.constant 0 : i32
      %dma_wait3A_104 = tpu.memref_slice %arg4[%mul3A_2, %dma_wait3A_103] : memref<32768x4096xf32, #tpu.memory_space<hbm>> -> memref<8x4096xf32, #tpu.memory_space<hbm>>
      tpu.wait_dma2 semaphore(%arg12 : memref<!tpu.dma_semaphore, #tpu.memory_space<semaphore_mem>>) src(%arg6 : memref<8x4096xf32, #tpu.memory_space<vmem>>) dst(%dma_wait3A_104 : memref<8x4096xf32, #tpu.memory_space<hbm>>)
      %add3A_105 = arith.constant 2 : i32
      %add3A_106 = arith.addi %add3A_87, %add3A_105 : i32
      %dma_start3A_107 = arith.constant 0 : i32
      %dma_start3A_108 = tpu.memref_slice %arg5[%add3A_106, %dma_start3A_107] : memref<128x8xi32, #tpu.memory_space<vmem>> -> memref<1x8xi32, #tpu.memory_space<vmem>>
      %dma_start3A_109 = tpu.memref_squeeze %dma_start3A_108 : memref<1x8xi32, #tpu.memory_space<vmem>> -> memref<8xi32, #tpu.memory_space<vmem>>
      %dma_start3A_110 = arith.constant 0 : i32
      %dma_start3A_111 = arith.constant 0 : i32
      %dma_start3A_112 = tpu.memref_slice %arg3[%dma_start3A_110, %dma_start3A_111] : memref<10000x4096xf32, #tpu.memory_space<hbm>> -> memref<10000x4096xf32, #tpu.memory_space<hbm>>
      tpu.enqueue_indirect_dma source(%dma_start3A_112 : memref<10000x4096xf32, #tpu.memory_space<hbm>>) target(%arg6 : memref<8x4096xf32, #tpu.memory_space<vmem>>) offsets(%dma_start3A_109 : memref<8xi32, #tpu.memory_space<vmem>>) semaphore(%arg9 : memref<!tpu.dma_semaphore, #tpu.memory_space<semaphore_mem>>)
      %add3A_113 = arith.constant 2 : i32
      %add3A_114 = arith.addi %mul3A_60, %add3A_113 : i32
      %dma_wait3A_115 = arith.constant 0 : i32
      %dma_wait3A_116 = tpu.memref_slice %arg5[%add3A_114, %dma_wait3A_115] : memref<128x8xi32, #tpu.memory_space<vmem>> -> memref<1x8xi32, #tpu.memory_space<vmem>>
      %dma_wait3A_117 = tpu.memref_squeeze %dma_wait3A_116 : memref<1x8xi32, #tpu.memory_space<vmem>> -> memref<8xi32, #tpu.memory_space<vmem>>
      %dma_wait3A_118 = arith.constant 0 : i32
      %dma_wait3A_119 = arith.constant 0 : i32
      %dma_wait3A_120 = tpu.memref_slice %arg3[%dma_wait3A_118, %dma_wait3A_119] : memref<10000x4096xf32, #tpu.memory_space<hbm>> -> memref<10000x4096xf32, #tpu.memory_space<hbm>>
      tpu.wait_indirect_dma semaphore(%arg11 : memref<!tpu.dma_semaphore, #tpu.memory_space<semaphore_mem>>) src(%dma_wait3A_120 : memref<10000x4096xf32, #tpu.memory_space<hbm>>) dst(%arg8 : memref<8x4096xf32, #tpu.memory_space<vmem>>)
      %mul3A_121 = arith.constant 8 : i32
      %mul3A_122 = arith.muli %add3A_114, %mul3A_121 : i32
      %add3A_123 = arith.addi %mul3A_2, %mul3A_122 : i32
      %dma_start3A_124 = arith.constant 0 : i32
      %dma_start3A_125 = tpu.memref_slice %arg4[%add3A_123, %dma_start3A_124] : memref<32768x4096xf32, #tpu.memory_space<hbm>> -> memref<8x4096xf32, #tpu.memory_space<hbm>>
      %dma_start3A_126 = arith.constant 0 : i32
      %dma_start3A_127 = tpu.memref_slice %arg4[%add3A_123, %dma_start3A_126] : memref<32768x4096xf32, #tpu.memory_space<hbm>> -> memref<8x4096xf32, #tpu.memory_space<hbm>>
      tpu.enqueue_dma source(%arg8 : memref<8x4096xf32, #tpu.memory_space<vmem>>) target(%dma_start3A_127 : memref<8x4096xf32, #tpu.memory_space<hbm>>) target_semaphore(%arg14 : memref<!tpu.dma_semaphore, #tpu.memory_space<semaphore_mem>>)
      %dma_wait3A_128 = arith.constant 0 : i32
      %dma_wait3A_129 = tpu.memref_slice %arg4[%mul3A_2, %dma_wait3A_128] : memref<32768x4096xf32, #tpu.memory_space<hbm>> -> memref<8x4096xf32, #tpu.memory_space<hbm>>
      %dma_wait3A_130 = arith.constant 0 : i32
      %dma_wait3A_131 = tpu.memref_slice %arg4[%mul3A_2, %dma_wait3A_130] : memref<32768x4096xf32, #tpu.memory_space<hbm>> -> memref<8x4096xf32, #tpu.memory_space<hbm>>
      tpu.wait_dma2 semaphore(%arg13 : memref<!tpu.dma_semaphore, #tpu.memory_space<semaphore_mem>>) src(%arg7 : memref<8x4096xf32, #tpu.memory_space<vmem>>) dst(%dma_wait3A_131 : memref<8x4096xf32, #tpu.memory_space<hbm>>)
      %add3A_132 = arith.constant 2 : i32
      %add3A_133 = arith.addi %add3A_114, %add3A_132 : i32
      %dma_start3A_134 = arith.constant 0 : i32
      %dma_start3A_135 = tpu.memref_slice %arg5[%add3A_133, %dma_start3A_134] : memref<128x8xi32, #tpu.memory_space<vmem>> -> memref<1x8xi32, #tpu.memory_space<vmem>>
      %dma_start3A_136 = tpu.memref_squeeze %dma_start3A_135 : memref<1x8xi32, #tpu.memory_space<vmem>> -> memref<8xi32, #tpu.memory_space<vmem>>
      %dma_start3A_137 = arith.constant 0 : i32
      %dma_start3A_138 = arith.constant 0 : i32
      %dma_start3A_139 = tpu.memref_slice %arg3[%dma_start3A_137, %dma_start3A_138] : memref<10000x4096xf32, #tpu.memory_space<hbm>> -> memref<10000x4096xf32, #tpu.memory_space<hbm>>
      tpu.enqueue_indirect_dma source(%dma_start3A_139 : memref<10000x4096xf32, #tpu.memory_space<hbm>>) target(%arg7 : memref<8x4096xf32, #tpu.memory_space<vmem>>) offsets(%dma_start3A_136 : memref<8xi32, #tpu.memory_space<vmem>>) semaphore(%arg10 : memref<!tpu.dma_semaphore, #tpu.memory_space<semaphore_mem>>)
    }
    %scan3A_20 = arith.constant 42 : i32
    %dma_wait3A = arith.constant 126 : i32
    %dma_wait3A_21 = arith.constant 0 : i32
    %dma_wait3A_22 = tpu.memref_slice %arg5[%dma_wait3A, %dma_wait3A_21] : memref<128x8xi32, #tpu.memory_space<vmem>> -> memref<1x8xi32, #tpu.memory_space<vmem>>
    %dma_wait3A_23 = tpu.memref_squeeze %dma_wait3A_22 : memref<1x8xi32, #tpu.memory_space<vmem>> -> memref<8xi32, #tpu.memory_space<vmem>>
    %dma_wait3A_24 = arith.constant 0 : i32
    %dma_wait3A_25 = arith.constant 0 : i32
    %dma_wait3A_26 = tpu.memref_slice %arg3[%dma_wait3A_24, %dma_wait3A_25] : memref<10000x4096xf32, #tpu.memory_space<hbm>> -> memref<10000x4096xf32, #tpu.memory_space<hbm>>
    tpu.wait_indirect_dma semaphore(%arg9 : memref<!tpu.dma_semaphore, #tpu.memory_space<semaphore_mem>>) src(%dma_wait3A_26 : memref<10000x4096xf32, #tpu.memory_space<hbm>>) dst(%arg6 : memref<8x4096xf32, #tpu.memory_space<vmem>>)
    %add3A_27 = arith.constant 1008 : i32
    %add3A_28 = arith.addi %mul3A_2, %add3A_27 : i32
    %dma_start3A_29 = arith.constant 0 : i32
    %dma_start3A_30 = tpu.memref_slice %arg4[%add3A_28, %dma_start3A_29] : memref<32768x4096xf32, #tpu.memory_space<hbm>> -> memref<8x4096xf32, #tpu.memory_space<hbm>>
    %dma_start3A_31 = arith.constant 0 : i32
    %dma_start3A_32 = tpu.memref_slice %arg4[%add3A_28, %dma_start3A_31] : memref<32768x4096xf32, #tpu.memory_space<hbm>> -> memref<8x4096xf32, #tpu.memory_space<hbm>>
    tpu.enqueue_dma source(%arg6 : memref<8x4096xf32, #tpu.memory_space<vmem>>) target(%dma_start3A_32 : memref<8x4096xf32, #tpu.memory_space<hbm>>) target_semaphore(%arg12 : memref<!tpu.dma_semaphore, #tpu.memory_space<semaphore_mem>>)
    %dma_wait3A_33 = arith.constant 127 : i32
    %dma_wait3A_34 = arith.constant 0 : i32
    %dma_wait3A_35 = tpu.memref_slice %arg5[%dma_wait3A_33, %dma_wait3A_34] : memref<128x8xi32, #tpu.memory_space<vmem>> -> memref<1x8xi32, #tpu.memory_space<vmem>>
    %dma_wait3A_36 = tpu.memref_squeeze %dma_wait3A_35 : memref<1x8xi32, #tpu.memory_space<vmem>> -> memref<8xi32, #tpu.memory_space<vmem>>
    %dma_wait3A_37 = arith.constant 0 : i32
    %dma_wait3A_38 = arith.constant 0 : i32
    %dma_wait3A_39 = tpu.memref_slice %arg3[%dma_wait3A_37, %dma_wait3A_38] : memref<10000x4096xf32, #tpu.memory_space<hbm>> -> memref<10000x4096xf32, #tpu.memory_space<hbm>>
    tpu.wait_indirect_dma semaphore(%arg10 : memref<!tpu.dma_semaphore, #tpu.memory_space<semaphore_mem>>) src(%dma_wait3A_39 : memref<10000x4096xf32, #tpu.memory_space<hbm>>) dst(%arg7 : memref<8x4096xf32, #tpu.memory_space<vmem>>)
    %add3A_40 = arith.constant 1016 : i32
    %add3A_41 = arith.addi %mul3A_2, %add3A_40 : i32
    %dma_start3A_42 = arith.constant 0 : i32
    %dma_start3A_43 = tpu.memref_slice %arg4[%add3A_41, %dma_start3A_42] : memref<32768x4096xf32, #tpu.memory_space<hbm>> -> memref<8x4096xf32, #tpu.memory_space<hbm>>
    %dma_start3A_44 = arith.constant 0 : i32
    %dma_start3A_45 = tpu.memref_slice %arg4[%add3A_41, %dma_start3A_44] : memref<32768x4096xf32, #tpu.memory_space<hbm>> -> memref<8x4096xf32, #tpu.memory_space<hbm>>
    tpu.enqueue_dma source(%arg7 : memref<8x4096xf32, #tpu.memory_space<vmem>>) target(%dma_start3A_45 : memref<8x4096xf32, #tpu.memory_space<hbm>>) target_semaphore(%arg13 : memref<!tpu.dma_semaphore, #tpu.memory_space<semaphore_mem>>)
    %dma_wait3A_46 = arith.constant 0 : i32
    %dma_wait3A_47 = tpu.memref_slice %arg4[%mul3A_2, %dma_wait3A_46] : memref<32768x4096xf32, #tpu.memory_space<hbm>> -> memref<8x4096xf32, #tpu.memory_space<hbm>>
    %dma_wait3A_48 = arith.constant 0 : i32
    %dma_wait3A_49 = tpu.memref_slice %arg4[%mul3A_2, %dma_wait3A_48] : memref<32768x4096xf32, #tpu.memory_space<hbm>> -> memref<8x4096xf32, #tpu.memory_space<hbm>>
    tpu.wait_dma2 semaphore(%arg14 : memref<!tpu.dma_semaphore, #tpu.memory_space<semaphore_mem>>) src(%arg8 : memref<8x4096xf32, #tpu.memory_space<vmem>>) dst(%dma_wait3A_49 : memref<8x4096xf32, #tpu.memory_space<hbm>>)
    %dma_wait3A_50 = arith.constant 0 : i32
    %dma_wait3A_51 = tpu.memref_slice %arg4[%mul3A_2, %dma_wait3A_50] : memref<32768x4096xf32, #tpu.memory_space<hbm>> -> memref<8x4096xf32, #tpu.memory_space<hbm>>
    %dma_wait3A_52 = arith.constant 0 : i32
    %dma_wait3A_53 = tpu.memref_slice %arg4[%mul3A_2, %dma_wait3A_52] : memref<32768x4096xf32, #tpu.memory_space<hbm>> -> memref<8x4096xf32, #tpu.memory_space<hbm>>
    tpu.wait_dma2 semaphore(%arg12 : memref<!tpu.dma_semaphore, #tpu.memory_space<semaphore_mem>>) src(%arg6 : memref<8x4096xf32, #tpu.memory_space<vmem>>) dst(%dma_wait3A_53 : memref<8x4096xf32, #tpu.memory_space<hbm>>)
    %dma_wait3A_54 = arith.constant 0 : i32
    %dma_wait3A_55 = tpu.memref_slice %arg4[%mul3A_2, %dma_wait3A_54] : memref<32768x4096xf32, #tpu.memory_space<hbm>> -> memref<8x4096xf32, #tpu.memory_space<hbm>>
    %dma_wait3A_56 = arith.constant 0 : i32
    %dma_wait3A_57 = tpu.memref_slice %arg4[%mul3A_2, %dma_wait3A_56] : memref<32768x4096xf32, #tpu.memory_space<hbm>> -> memref<8x4096xf32, #tpu.memory_space<hbm>>
    tpu.wait_dma2 semaphore(%arg13 : memref<!tpu.dma_semaphore, #tpu.memory_space<semaphore_mem>>) src(%arg7 : memref<8x4096xf32, #tpu.memory_space<vmem>>) dst(%dma_wait3A_57 : memref<8x4096xf32, #tpu.memory_space<hbm>>)
    return
  }
}

</mosaic_0001>

<sc_bundles>
// kernel: _gather_sc.3.cloned.1.call-start
scs
__scs_entry_jumppad:
0x0: {  	(pc) =	sbr.rel $0x88, $3  }
0x1: {  	(tag) =	ssettag $0x0;
	lr =	simm.s32 $0x1  }
0x2: {  	[smem:$0x3F9F] =	sst lr;
	_ =	strace $0xD0000000  }
0x3: {  	_ = 	snop  }
0x4: {  	_ = 	snop  }
0x5: {  	_ = 	snop  }
0x6: {  	_ = 	snop  }
0x7: {  	_ = 	snop  }
__scs_overlays_trampoline_lowered:
0x8: {  	[smem:$0x3FAE] =	sst s0  }
0x9: {  	[smem:$0x3FAF] =	sst s1  }
0xa: {  	[smem:$0x3FB0] =	sst s2  }
0xb: {  	[smem:$0x3FB1] =	sst s3  }
0xc: {  	[smem:$0x3FB2] =	sst s4  }
0xd: {  	[smem:$0x3FB3] =	sst s5  }
0xe: {  	[smem:$0x3FB4] =	sst s6  }
0xf: {  	[smem:$0x3FB5] =	sst s7  }
0x10: {  	[smem:$0x3FB6] =	sst s8  }
0x11: {  	[smem:$0x3FB7] =	sst s9;
	s0 =	simm.s32 @!p0 $0x0  }
0x12: {  	s1 =	sld [smem:$0x3F9D];
	s0 =	simm.s32 @p0 $0x1  }
0x13: {  	[smem:$0x3FB8] =	sst s0;
	s0 =	simm.s32 @!p1 $0x0  }
0x14: {  	s2 =	sld [smem:$0x3F9C];
	s0 =	simm.s32 @p1 $0x1  }
0x15: {  	[smem:$0x3FB9] =	sst s0;
	s0 =	simm.s32 @!p2 $0x0  }
0x16: {  	s3 =	sld [smem:$0x3FDB];
	s0 =	simm.s32 @p2 $0x1  }
0x17: {  	s4 =	simm.s32 $0x1BF5;
	[smem:$0x3FBB] =	sst s0  }
0x18: {  	s0 =	sld [smem:$0x3F9E];
	_ =	swait.ge [sflag:s4], $0x0  }
0x19: {  	s7 =	sld [smem:$0x3F9F]  }
0x1a: {  	s8 =	sadd.s32 $0xFFFFE003, lr  }
0x1b: {  	s9 =	sadd.s32 $0xFFFFFEF7, lr;
	s5 =	simm.s32 $0xFFFFFFFF;
	p2 =	slt.u32 s8, $0xFFFFF086  }
0x1c: {  	p1 =	slt.u32 s9, $0xF7A;
	s5 =	simm.s32 @!p2 $0x0  }
0x1d: {  	s5 =	simm.s32 @p1 $0x1;
	p0 =	seq.s32 s7, s2  }
0x1e: {  	s7 =	smul.u32 @!p0 $0xF7A, s2;
	p2 =	seq.s32 @!p0 s5, $0x0  }
0x1f: {  	s9 =	smul.u32 $0xF7A, s1;
	s8 =	simm.s32 @!p0 $0x1BF5;
	p2 =	por !p2, p0  }
0x20: {  	[sflag:s8] =	ssyncset.s32 @!p0 $0xFFFFF086;
	s6 =	sadd.s32 @!p0 s3, s7;
	s7 =	simm.s32 @!p0 $0x108  }
0x21: {  	s3 =	sadd.s32 s3, s9;
	s6 =	sadd.s32 @!p0 $0x88, s6;
	s7 =	simm.s32 @p2 $0x1082  }
0x22: {  	[simem:s7], [sflag:s8] =	dma.local @!p0 [hbm:s6], $0xF7A  }
0x23: {  	s9 =	sor.u32 $0xD0000000, s2;
	s6 =	simm.s32 $0x108;
	_ =	swait.ge @!p0 [sflag:s8], $0x0  }
0x24: {  	s3 =	sadd.s32 $0x88, s3;
	s6 =	simm.s32 @!p1 $0x1082;
	[sflag:s4] =	ssyncset.s32 $0xFFFFF086  }
0x25: {  	[simem:s6], [sflag:s4] =	dma.local [hbm:s3], $0xF7A  }
0x26: {  	[smem:$0x3F9F] =	sst s1;
	(tag) =	ssettag s2;
	_ =	strace s9  }
0x27: {  	s1 =	sld [smem:$0x3FAF]  }
0x28: {  	s2 =	sld [smem:$0x3FB0]  }
0x29: {  	s4 =	sld [smem:$0x3FB2]  }
0x2a: {  	p0 =	seq.s32 s5, $0x0;
	s5 =	sld [smem:$0x3FB3]  }
0x2b: {  	s6 =	sld [smem:$0x3FB4]  }
0x2c: {  	s7 =	sld [smem:$0x3FB5]  }
0x2d: {  	s3 =	simm.s32 $0x108;
	s8 =	sld [smem:$0x3FB6]  }
0x2e: {  	s3 =	simm.s32 @!p0 $0x1082;
	s9 =	sld [smem:$0x3FB7]  }
0x2f: {  	lr =	sadd.s32 s0, s3;
	s0 =	sld [smem:$0x3FAE]  }
0x30: {  	s3 =	sld [smem:$0x3FB1]  }
0x31: {  	[smem:$0x3FBA] =	sst s10  }
0x32: {  	s10 =	sld [smem:$0x3FB8];
	_ =	sdelay $0x3  }
0x33: {  	p0 =	seq.s32 s10, $0x1;
	s10 =	sld [smem:$0x3FBA];
	_ =	sdelay $0x3  }
0x34: {  	[smem:$0x3FBA] =	sst s10  }
0x35: {  	s10 =	sld [smem:$0x3FB9];
	_ =	sdelay $0x3  }
0x36: {  	p1 =	seq.s32 s10, $0x1;
	s10 =	sld [smem:$0x3FBA];
	_ =	sdelay $0x3  }
0x37: {  	[smem:$0x3FBA] =	sst s10  }
0x38: {  	s10 =	sld [smem:$0x3FBB]  }
0x39: {  	_ = 	snop;
	(pc) =	sbr.ind lr, $3  }
0x3a: {  	_ = 	snop  }
0x3b: {  	_ = 	snop  }
0x3c: {  	p2 =	seq.s32 s10, $0x1;
	s10 =	sld [smem:$0x3FBA]  }
0x3d: {  	_ =	shalt  }
0x3e: {  	_ =	shalt  }
0x3f: {  	_ =	shalt  }
0x40: {  	_ =	shalt  }
0x41: {  	_ =	shalt  }
0x42: {  	_ =	shalt  }
0x43: {  	_ =	shalt  }
0x44: {  	_ =	shalt  }
0x45: {  	_ =	shalt  }
0x46: {  	_ =	shalt  }
0x47: {  	_ =	shalt  }
0x48: {  	_ =	shalt  }
0x49: {  	_ =	shalt  }
0x4a: {  	_ =	shalt  }
0x4b: {  	_ =	shalt  }
0x4c: {  	_ =	shalt  }
0x4d: {  	_ =	shalt  }
0x4e: {  	_ =	shalt  }
0x4f: {  	_ =	shalt  }
0x50: {  	_ =	shalt  }
0x51: {  	_ =	shalt  }
0x52: {  	_ =	shalt  }
0x53: {  	_ =	shalt  }
0x54: {  	_ =	shalt  }
0x55: {  	_ =	shalt  }
0x56: {  	_ =	shalt  }
0x57: {  	_ =	shalt  }
0x58: {  	_ =	shalt  }
0x59: {  	_ =	shalt  }
0x5a: {  	_ =	shalt  }
0x5b: {  	_ =	shalt  }
0x5c: {  	_ =	shalt  }
0x5d: {  	_ =	shalt  }
0x5e: {  	_ =	shalt  }
0x5f: {  	_ =	shalt  }
0x60: {  	_ =	shalt  }
0x61: {  	_ =	shalt  }
0x62: {  	_ =	shalt  }
0x63: {  	_ =	shalt  }
0x64: {  	_ =	shalt  }
0x65: {  	_ =	shalt  }
0x66: {  	_ =	shalt  }
0x67: {  	_ =	shalt  }
0x68: {  	_ =	shalt  }
0x69: {  	_ =	shalt  }
0x6a: {  	_ =	shalt  }
0x6b: {  	_ =	shalt  }
0x6c: {  	_ =	shalt  }
0x6d: {  	_ =	shalt  }
0x6e: {  	_ =	shalt  }
0x6f: {  	_ =	shalt  }
0x70: {  	_ =	shalt  }
0x71: {  	_ =	shalt  }
0x72: {  	_ =	shalt  }
0x73: {  	_ =	shalt  }
0x74: {  	_ =	shalt  }
0x75: {  	_ =	shalt  }
0x76: {  	_ =	shalt  }
0x77: {  	_ =	shalt  }
0x78: {  	_ =	shalt  }
0x79: {  	_ =	shalt  }
0x7a: {  	_ =	shalt  }
0x7b: {  	_ =	shalt  }
0x7c: {  	_ =	shalt  }
0x7d: {  	_ =	shalt  }
0x7e: {  	_ =	shalt  }
0x7f: {  	_ =	shalt  }
0x80: {  	_ =	shalt  }
0x81: {  	_ =	shalt  }
0x82: {  	_ =	shalt  }
0x83: {  	_ =	shalt  }
0x84: {  	_ =	shalt  }
0x85: {  	_ =	shalt  }
0x86: {  	_ =	shalt  }
0x87: {  	_ =	shalt  }
.Lfunc_end0:
.L_simem_size_0:
called_computation_lowered:
.L_overlay_start_0:
0x88: {  	s2 =	sld [smem:$0x3FD9]  }
0x89: {  	s3 =	sld [smem:$0x3FFE];
	_ =	sdelay $0x1  }
0x8a: {  	s1 =	srdreg.scid  }
0x8b: {  	s0 =	sand.u32 $0x1, s1  }
0x8c: {  	s17 =	sshll.u32 s0, $0xA;
	s2 =	sadd.s32 s3, s2  }
0x8d: {  	s2 =	sadd.s32 s2, s17  }
0x8e: {  	[smem:$0x3FC6] =	sst s2  }
0x8f: {  	_ = 	snop  }
0x90: {  	s2 =	sld [smem:$0x3FC8]  }
0x91: {  	s18 =	sld [smem:$0x3FD0];
	(tm) =	ssettm $0x1  }
0x92: {  	s4 =	sld [smem:$0x3FFB];
	_ =	sdelay $0x3  }
0x93: {  	_ =	strace s4  }
0x94: {  	s4 =	sld [smem:$0x3FFC];
	_ =	sdelay $0x3  }
0x95: {  	_ =	strace s4  }
0x96: {  	s4 =	sld [smem:$0x3FFD];
	_ =	sdelay $0x3  }
0x97: {  	_ =	strace s4  }
0x98: {  	_ =	strace $0x8FFFFFFF  }
0x99: {  	s19 =	sld [smem:$0x3FDB];
	_ =	sdelay $0x1  }
0x9a: {  	s5 =	simm.s32 $_scs_section_size  }
0x9b: {  	s6 =	simm.s32 $_size__tile_overlayer_lowered;
	s7 =	simm.s32 $_tile_overlayer_lowered  }
0x9c: {  	s22 =	simm.s32 $0x1BFF;
	s21 =	sshll.u32 s7, $0x1;
	s4 =	sadd.s32 s5, s19  }
0x9d: {  	s8 =	simm.s32 $0x0;
	s20 =	sshll.u32 s6, $0x1;
	s6 =	sadd.s32 s21, s4  }
0x9e: {  	[timem:s8], [sflag:s22] =	dma.local [hbm:s6], s20  }
0x9f: {  	_ =	swait.ge [sflag:s22], s20  }
0xa0: {  	s5 =	ssub.s32 $0x0, s20;
	[sflag:s22] =	ssyncset.done $0x0  }
0xa1: {  	[sflag:s22] =	ssyncadd.s32 s5;
	_ =	sdelay $0x1  }
0xa2: {  	s23 =	simm.s32 $0x1B8B  }
0xa3: {  	_ =	swait.ge [sflag:s23], $0x1  }
0xa4: {  	[sflag:s23] =	ssyncset.done $0x0  }
0xa5: {  	s25 =	simm.s32 $0x1B8E;
	s24 =	sld [smem:$0x3FFE];
	[sflag:s23] =	ssyncadd.s32 $0xFFFFFFFF  }
0xa6: {  	s26 =	simm.s32 $execute0_lowered;
	[smem:$0x3FD2] =	sst s25  }
0xa7: {  	s6 =	sshll.u32 s26, $0x1;
	_ =	strace $0x80000046;
	[dreg:$0x1] =	wrdreg $0xFFFFFFFF  }
0xa8: {  	s28 =	simm.s32 $_size_execute0_lowered;
	s4 =	sadd.s32 s4, s6;
	[dreg:$0x0] =	wrdreg $0x0  }
0xa9: {  	s6 =	sshll.u32 s28, $0x1;
	[dreg:$0x2] =	wrdreg s4  }
0xaa: {  	[dreg:$0x3] =	wrdreg s6  }
0xab: {  	[dreg:$0x4] =	wrdreg $0xC0  }
0xac: {  	_ =	task [dreg:s8], $0x5FFFF  }
0xad: {  	[dreg:$0x1] =	wrdreg $0xFFFFFFFF  }
0xae: {  	[dreg:$0x0] =	wrdreg $0x60  }
0xaf: {  	[dreg:$0x2] =	wrdreg s24  }
0xb0: {  	[dreg:$0x3] =	wrdreg s2  }
0xb1: {  	[dreg:$0x4] =	wrdreg s18  }
0xb2: {  	[dreg:$0x5] =	wrdreg $0x9  }
0xb3: {  	_ =	task.clear_ibuf [dreg:s8], $0x6FFFF;
	_ =	strace $0x90000046  }
0xb4: {  	s29 =	simm.s32 $0x9;
	_ =	strace $0x80000048  }
0xb5: {  	_ =	swait.ge [sflag:s29], $0x1  }
0xb6: {  	[sflag:s29] =	ssyncadd.s32 $0xFFFFFFFF  }
0xb7: {  	_ =	strace $0x90000048  }
0xb8: {  	_ =	sfence  }
0xb9: {  	s30 =	sld [smem:$0x0];
	_ =	sdelay $0x2  }
0xba: {  	s31 =	sshll.u32 s1, $0xD;
	s1 =	sshrl.u32 s1, $0x2  }
0xbb: {  	s3 =	sand.u32 $0x4000, s31;
	s1 =	sadd.s32 s1, s30  }
0xbc: {  	s0 =	sor.u32 s3, s0;
	s1 =	sshll.u32 s1, $0x11  }
0xbd: {  	s0 =	sor.u32 s1, s0  }
0xbe: {  	s0 =	sadd.s32 $0x8F2B, s0  }
0xbf: {  	[sflag:s0] =	ssyncadd.remote.s32 $0x1  }
0xc0: {  	_ =	sfence.sel $0xFFFF  }
0xc1: {  	[dreg:$0x0] =	wrdreg $0xFFFFFFFF;
	(pc) =	sbr.abs _section_cstart, $3  }
0xc2: {  	[dreg:$0x1] =	wrdreg $0xFFFFFFFF  }
0xc3: {  	_ =	task.clear_ibuf [dreg:s8], $0x2FFFF;
	_ =	strace $0x9FFFFFFF  }
0xc4: {  	(tm) =	ssettm $0x7FFFFFFF  }
0xc5: {  	_ =	shalt  }
tec
execute0_lowered:
.L_overlay_start_1:
0x0: {  	(tag) =	ssettag $0x1  }
0x1: {  	s0 =	rddreg [dreg:$0x0]  }
0x2: {  	s2 =	rddreg [dreg:$0x1]  }
0x3: {  	s1 =	srdreg.scid;
	s7 =	stileid.u32  }
0x4: {  	s4 =	rddreg [dreg:$0x2];
	s14 =	simm.s32 $0x14800;
	s15 =	simm.s32 $0x15000  }
0x5: {  	s16 =	simm.s32 $0x15800;
	s17 =	simm.s32 $0x16000;
	s18 =	simm.s32 $0x16800  }
0x6: {  	s19 =	simm.s32 $0x17000;
	s22 =	simm.s32 $0x17800;
	s23 =	simm.s32 $0x18000  }
0x7: {  	s24 =	simm.s32 $0x18800;
	s25 =	simm.s32 $0x19000;
	s29 =	simm.s32 $0x4800  }
0x8: {  	s30 =	simm.s32 $0x5000;
	s31 =	simm.s32 $0x6800;
	s28 =	simm.s32 $0xC000  }
0x9: {  	s1 =	sand.u32 $0x1, s1;
	s3 =	sshll.u32 s7, $0x1;
	s13 =	sshll.u32 s7, $0x14  }
0xa: {  	s7 =	sadd.s32 $0x300, s2;
	s20 =	sor.u32 s1, s3;
	s3 =	simm.s32 $0x0  }
0xb: {  	s8 =	sadd.s32 $0x400, s2;
	s9 =	sadd.s32 $0x500, s2;
	[smem:$0x7FF] =	sst s3  }
0xc: {  	s10 =	sadd.s32 $0x600, s2;
	_ =	strace $0x80000047;
	[dreg:$0x5] =	wrdreg s14  }
0xd: {  	s11 =	sadd.s32 $0x700, s2;
	s6 =	ssub.s32 $0x2, s1;
	[dreg:$0x6] =	wrdreg s15  }
0xe: {  	s1 =	sshll.u32 s1, $0x13;
	s5 =	sshll.u32 s20, $0xB;
	[dreg:$0x7] =	wrdreg s16  }
0xf: {  	s12 =	sshrl.u32 s6, $0x1;
	s26 =	sshll.u32 s20, $0x13;
	[dreg:$0x8] =	wrdreg s17  }
0x10: {  	s20 =	simm.s32 $0x19800;
	s0 =	sadd.s32 s5, s0;
	[dreg:$0x9] =	wrdreg s18  }
0x11: {  	s21 =	ssub.s32 s6, s12;
	s5 =	sadd.s32 $0x100, s2;
	[dreg:$0xa] =	wrdreg s19  }
0x12: {  	s6 =	sadd.s32 $0x200, s2;
	s12 =	sadd.s32 $0x800, s2;
	[dreg:$0xb] =	wrdreg s22  }
0x13: {  	s14 =	sadd.s32 $0xA00, s2;
	s15 =	sadd.s32 $0xB00, s2;
	[dreg:$0xc] =	wrdreg s23  }
0x14: {  	s16 =	sadd.s32 $0xC00, s2;
	s17 =	sadd.s32 $0xD00, s2;
	[dreg:$0xd] =	wrdreg s24  }
0x15: {  	s18 =	sadd.s32 $0xE00, s2;
	s19 =	sadd.s32 $0xF00, s2;
	[dreg:$0xe] =	wrdreg s25  }
0x16: {  	[dreg:$0xf] =	wrdreg s20;
	s22 =	simm.s32 $0x1A000;
	s23 =	simm.s32 $0x1A800  }
0x17: {  	s24 =	simm.s32 $0x1B000;
	s20 =	simm.s32 $0x4;
	[dreg:$0x10] =	wrdreg s22  }
0x18: {  	s0 =	sadd.s32 $0x400, s0;
	[dreg:$0x11] =	wrdreg s23;
	s25 =	smax.u32 s21, $0x1  }
0x19: {  	[dreg:$0x12] =	wrdreg s24;
	s24 =	simm.s32 $0x4000;
	s21 =	simm.s32 $0x3  }
0x1a: {  	s22 =	simm.s32 $0x5;
	s23 =	simm.s32 $0x0;
	[dreg:$0x14] =	wrdreg s0  }
0x1b: {  	s0 =	sadd.s32 s13, s4;
	s13 =	sadd.s32 $0x900, s2;
	[dreg:$0x17] =	wrdreg s25  }
0x1c: {  	s25 =	simm.s32 $0x5800;
	[dreg:$0x18] =	wrdreg s23;
	s0 =	sadd.s32 s1, s0  }
0x1d: {  	s1 =	sadd.s32 s26, s4;
	s26 =	simm.s32 $0x1B800;
	[dreg:$0x4] =	wrdreg s0  }
0x1e: {  	v0 =	vlaneseq.u32;
	s4 =	sadd.s32 $0x7E000, s1;
	s1 =	sadd.s32 $0x7F000, s1;
	[dreg:$0x13] =	wrdreg s26  }
0x1f: {  	v1 =	vshrl.u32 v0, $0x3;
	s26 =	simm.s32 $0x6000;
	s0 =	simm.s32 $0x14000;
	[dreg:$0x15] =	wrdreg s4  }
0x20: {  	vm0 =	vmmov $0xffff;
	v0 =	vand.u32 $0x7, v0;
	v1 =	vmul.u32 $0x8, v1;
	[dreg:$0x16] =	wrdreg s1;
	s1 =	simm.s32 $0x1;
	s4 =	simm.s32 $0x2  }
.LBB2_1:
0x21: {  	s23 =	rddreg [dreg:$0x14]  }
0x22: {  	[tilespmem:s3], [sflag:$0x7] =	stream.linear.gather [hbm4b:s23+s3], $0x4000, $0x38;
	[tilespmem:$0x1C000] =	vst v63  }
0x23: {  	s23 =	simm.s32 $0x7  }
0x24: {  	_ =	swait.ge [sflag:s23], $0x4000  }
0x25: {  	[sflag:s23] =	ssyncset.done $0x0  }
0x26: {  	[sflag:s23] =	ssyncadd.s32 $0xFFFFC000  }
0x27: {  	v2 =	vld.msk [tilespmem:$0x0], $0xff;
	_ =	sdelay $0x4  }
0x28: {  	v3 =	vshll.u32 v2, $0x5  }
0x29: {  	v2 =	vand.u32 $0x7, v2;
	v3 =	vand.u32 $0xFFFFFF00, v3  }
0x2a: {  	v2 =	vor.u32 v2, v3  }
0x2b: {  	v2 =	vperm.xlane v2, v0;
	_ =	sdelay $0x1  }
0x2c: {  	v2 =	vadd.s32 v1, v2;
	_ =	sdelay $0x4  }
0x2d: {  	[tilespmem:s24], [sflag:$0x1] =	stream.indirect_vreg.gather [hbm4b:s2+s3], $0x80, v2, vm0, $0xb8;
	[tilespmem:$0x1C000] =	vst v63  }
0x2e: {  	_ = 	snop  }
0x2f: {  	[tilespmem:s29], [sflag:$0x1] =	stream.indirect_vreg.gather [hbm4b:s5+s3], $0x80, v2, vm0, $0xb8;
	[tilespmem:$0x1C000] =	vst v63  }
0x30: {  	_ = 	snop  }
0x31: {  	[tilespmem:s30], [sflag:$0x1] =	stream.indirect_vreg.gather [hbm4b:s6+s3], $0x80, v2, vm0, $0xb8;
	[tilespmem:$0x1C000] =	vst v63  }
0x32: {  	_ = 	snop  }
0x33: {  	[tilespmem:s25], [sflag:$0x1] =	stream.indirect_vreg.gather [hbm4b:s7+s3], $0x80, v2, vm0, $0xb8;
	[tilespmem:$0x1C000] =	vst v63  }
0x34: {  	_ = 	snop  }
0x35: {  	[tilespmem:s26], [sflag:$0x1] =	stream.indirect_vreg.gather [hbm4b:s8+s3], $0x80, v2, vm0, $0xb8;
	[tilespmem:$0x1C000] =	vst v63  }
0x36: {  	_ = 	snop  }
0x37: {  	[tilespmem:s31], [sflag:$0x1] =	stream.indirect_vreg.gather [hbm4b:s9+s3], $0x80, v2, vm0, $0xb8;
	[tilespmem:$0x1C000] =	vst v63  }
0x38: {  	s25 =	simm.s32 $0x7000  }
0x39: {  	[tilespmem:s25], [sflag:$0x1] =	stream.indirect_vreg.gather [hbm4b:s10+s3], $0x80, v2, vm0, $0xb8;
	[tilespmem:$0x1C000] =	vst v63  }
0x3a: {  	s26 =	simm.s32 $0x7800  }
0x3b: {  	[tilespmem:s26], [sflag:$0x1] =	stream.indirect_vreg.gather [hbm4b:s11+s3], $0x80, v2, vm0, $0xb8;
	[tilespmem:$0x1C000] =	vst v63  }
0x3c: {  	s29 =	simm.s32 $0x8000  }
0x3d: {  	[tilespmem:s29], [sflag:$0x1] =	stream.indirect_vreg.gather [hbm4b:s12+s3], $0x80, v2, vm0, $0xb8;
	[tilespmem:$0x1C000] =	vst v63  }
0x3e: {  	s30 =	simm.s32 $0x8800  }
0x3f: {  	[tilespmem:s30], [sflag:$0x1] =	stream.indirect_vreg.gather [hbm4b:s13+s3], $0x80, v2, vm0, $0xb8;
	[tilespmem:$0x1C000] =	vst v63  }
0x40: {  	s31 =	simm.s32 $0x9000  }
0x41: {  	[tilespmem:s31], [sflag:$0x1] =	stream.indirect_vreg.gather [hbm4b:s14+s3], $0x80, v2, vm0, $0xb8;
	[tilespmem:$0x1C000] =	vst v63  }
0x42: {  	s25 =	simm.s32 $0x9800  }
0x43: {  	[tilespmem:s25], [sflag:$0x1] =	stream.indirect_vreg.gather [hbm4b:s15+s3], $0x80, v2, vm0, $0xb8;
	[tilespmem:$0x1C000] =	vst v63  }
0x44: {  	s26 =	simm.s32 $0xA000  }
0x45: {  	[tilespmem:s26], [sflag:$0x1] =	stream.indirect_vreg.gather [hbm4b:s16+s3], $0x80, v2, vm0, $0xb8;
	[tilespmem:$0x1C000] =	vst v63  }
0x46: {  	s29 =	simm.s32 $0xA800  }
0x47: {  	[tilespmem:s29], [sflag:$0x1] =	stream.indirect_vreg.gather [hbm4b:s17+s3], $0x80, v2, vm0, $0xb8;
	[tilespmem:$0x1C000] =	vst v63  }
0x48: {  	s30 =	simm.s32 $0xB000  }
0x49: {  	[tilespmem:s30], [sflag:$0x1] =	stream.indirect_vreg.gather [hbm4b:s18+s3], $0x80, v2, vm0, $0xb8;
	[tilespmem:$0x1C000] =	vst v63  }
0x4a: {  	s31 =	simm.s32 $0xB800  }
0x4b: {  	[tilespmem:s31], [sflag:$0x1] =	stream.indirect_vreg.gather [hbm4b:s19+s3], $0x80, v2, vm0, $0xb8;
	[tilespmem:$0x1C000] =	vst v63  }
0x4c: {  	v2 =	vld.msk [tilespmem:$0x80], $0xff;
	_ =	sdelay $0x4  }
0x4d: {  	v3 =	vshll.u32 v2, $0x5  }
0x4e: {  	v2 =	vand.u32 $0x7, v2;
	v3 =	vand.u32 $0xFFFFFF00, v3  }
0x4f: {  	v2 =	vor.u32 v2, v3  }
0x50: {  	v2 =	vperm.xlane v2, v0;
	_ =	sdelay $0x1  }
0x51: {  	v2 =	vadd.s32 v1, v2;
	_ =	sdelay $0x4  }
0x52: {  	[tilespmem:s28], [sflag:$0x2] =	stream.indirect_vreg.gather [hbm4b:s2+s3], $0x80, v2, vm0, $0xb8;
	[tilespmem:$0x1C000] =	vst v63  }
0x53: {  	s25 =	simm.s32 $0xC800  }
0x54: {  	[tilespmem:s25], [sflag:$0x2] =	stream.indirect_vreg.gather [hbm4b:s5+s3], $0x80, v2, vm0, $0xb8;
	[tilespmem:$0x1C000] =	vst v63  }
0x55: {  	s26 =	simm.s32 $0xD000  }
0x56: {  	[tilespmem:s26], [sflag:$0x2] =	stream.indirect_vreg.gather [hbm4b:s6+s3], $0x80, v2, vm0, $0xb8;
	[tilespmem:$0x1C000] =	vst v63  }
0x57: {  	s29 =	simm.s32 $0xD800  }
0x58: {  	[tilespmem:s29], [sflag:$0x2] =	stream.indirect_vreg.gather [hbm4b:s7+s3], $0x80, v2, vm0, $0xb8;
	[tilespmem:$0x1C000] =	vst v63  }
0x59: {  	s30 =	simm.s32 $0xE000  }
0x5a: {  	[tilespmem:s30], [sflag:$0x2] =	stream.indirect_vreg.gather [hbm4b:s8+s3], $0x80, v2, vm0, $0xb8;
	[tilespmem:$0x1C000] =	vst v63  }
0x5b: {  	s31 =	simm.s32 $0xE800  }
0x5c: {  	[tilespmem:s31], [sflag:$0x2] =	stream.indirect_vreg.gather [hbm4b:s9+s3], $0x80, v2, vm0, $0xb8;
	[tilespmem:$0x1C000] =	vst v63  }
0x5d: {  	s25 =	simm.s32 $0xF000  }
0x5e: {  	[tilespmem:s25], [sflag:$0x2] =	stream.indirect_vreg.gather [hbm4b:s10+s3], $0x80, v2, vm0, $0xb8;
	[tilespmem:$0x1C000] =	vst v63  }
0x5f: {  	s26 =	simm.s32 $0xF800  }
0x60: {  	[tilespmem:s26], [sflag:$0x2] =	stream.indirect_vreg.gather [hbm4b:s11+s3], $0x80, v2, vm0, $0xb8;
	[tilespmem:$0x1C000] =	vst v63  }
0x61: {  	s29 =	simm.s32 $0x10000  }
0x62: {  	[tilespmem:s29], [sflag:$0x2] =	stream.indirect_vreg.gather [hbm4b:s12+s3], $0x80, v2, vm0, $0xb8;
	[tilespmem:$0x1C000] =	vst v63  }
0x63: {  	s30 =	simm.s32 $0x10800  }
0x64: {  	[tilespmem:s30], [sflag:$0x2] =	stream.indirect_vreg.gather [hbm4b:s13+s3], $0x80, v2, vm0, $0xb8;
	[tilespmem:$0x1C000] =	vst v63  }
0x65: {  	s31 =	simm.s32 $0x11000  }
0x66: {  	[tilespmem:s31], [sflag:$0x2] =	stream.indirect_vreg.gather [hbm4b:s14+s3], $0x80, v2, vm0, $0xb8;
	[tilespmem:$0x1C000] =	vst v63  }
0x67: {  	s25 =	simm.s32 $0x11800  }
0x68: {  	[tilespmem:s25], [sflag:$0x2] =	stream.indirect_vreg.gather [hbm4b:s15+s3], $0x80, v2, vm0, $0xb8;
	[tilespmem:$0x1C000] =	vst v63  }
0x69: {  	s26 =	simm.s32 $0x12000  }
0x6a: {  	[tilespmem:s26], [sflag:$0x2] =	stream.indirect_vreg.gather [hbm4b:s16+s3], $0x80, v2, vm0, $0xb8;
	[tilespmem:$0x1C000] =	vst v63  }
0x6b: {  	s29 =	simm.s32 $0x12800  }
0x6c: {  	[tilespmem:s29], [sflag:$0x2] =	stream.indirect_vreg.gather [hbm4b:s17+s3], $0x80, v2, vm0, $0xb8;
	[tilespmem:$0x1C000] =	vst v63  }
0x6d: {  	s30 =	simm.s32 $0x13000  }
0x6e: {  	[tilespmem:s30], [sflag:$0x2] =	stream.indirect_vreg.gather [hbm4b:s18+s3], $0x80, v2, vm0, $0xb8;
	[tilespmem:$0x1C000] =	vst v63  }
0x6f: {  	s23 =	simm.s32 $0x200;
	s31 =	simm.s32 $0x13800;
	s25 =	simm.s32 $0x0  }
0x70: {  	[tilespmem:s31], [sflag:$0x2] =	stream.indirect_vreg.gather [hbm4b:s19+s3], $0x80, v2, vm0, $0xb8;
	[tilespmem:$0x1C000] =	vst v63  }
.LBB2_2:
0x71: {  	_ =	swait.ge [sflag:s1], $0x8000  }
0x72: {  	p0 =	seq.s32 s25, $0x0;
	s26 =	rddreg [dreg:$0x4];
	[sflag:s1] =	ssyncset.done $0x0  }
0x73: {  	s29 =	simm.s32 @!p0 $0x6;
	[sflag:s1] =	ssyncadd.s32 $0xFFFF8000;
	s26 =	sadd.s32 s25, s26  }
0x74: {  	[hbm4b:s26+s3] =	stream.linear.scatter [tilespmem:s24], [sflag:$0x4], $0x8000, $0x38;
	[tilespmem:$0x1C000] =	vst v63  }
0x75: {  	_ =	swait.ge @!p0 [sflag:s29], $0x8000  }
0x76: {  	[sflag:s29] =	ssyncset.done @!p0 $0x0  }
0x77: {  	[sflag:s29] =	ssyncadd.s32 @!p0 $0xFFFF8000  }
0x78: {  	v2 =	vld.msk [tilespmem:s23+$0xFFFFFF00], $0xff;
	_ =	sdelay $0x4  }
0x79: {  	v3 =	vshll.u32 v2, $0x5  }
0x7a: {  	v2 =	vand.u32 $0x7, v2;
	v3 =	vand.u32 $0xFFFFFF00, v3  }
0x7b: {  	v2 =	vor.u32 v2, v3  }
0x7c: {  	v2 =	vperm.xlane v2, v0;
	_ =	sdelay $0x1  }
0x7d: {  	v2 =	vadd.s32 v1, v2;
	_ =	sdelay $0x4  }
0x7e: {  	[tilespmem:s0], [sflag:$0x3] =	stream.indirect_vreg.gather [hbm4b:s2+s3], $0x80, v2, vm0, $0xb8;
	[tilespmem:$0x1C000] =	vst v63  }
0x7f: {  	s29 =	rddreg [dreg:$0x5]  }
0x80: {  	[tilespmem:s29], [sflag:$0x3] =	stream.indirect_vreg.gather [hbm4b:s5+s3], $0x80, v2, vm0, $0xb8;
	[tilespmem:$0x1C000] =	vst v63  }
0x81: {  	s30 =	rddreg [dreg:$0x6]  }
0x82: {  	[tilespmem:s30], [sflag:$0x3] =	stream.indirect_vreg.gather [hbm4b:s6+s3], $0x80, v2, vm0, $0xb8;
	[tilespmem:$0x1C000] =	vst v63  }
0x83: {  	s29 =	rddreg [dreg:$0x7]  }
0x84: {  	[tilespmem:s29], [sflag:$0x3] =	stream.indirect_vreg.gather [hbm4b:s7+s3], $0x80, v2, vm0, $0xb8;
	[tilespmem:$0x1C000] =	vst v63  }
0x85: {  	s30 =	rddreg [dreg:$0x8]  }
0x86: {  	[tilespmem:s30], [sflag:$0x3] =	stream.indirect_vreg.gather [hbm4b:s8+s3], $0x80, v2, vm0, $0xb8;
	[tilespmem:$0x1C000] =	vst v63  }
0x87: {  	s29 =	rddreg [dreg:$0x9]  }
0x88: {  	[tilespmem:s29], [sflag:$0x3] =	stream.indirect_vreg.gather [hbm4b:s9+s3], $0x80, v2, vm0, $0xb8;
	[tilespmem:$0x1C000] =	vst v63  }
0x89: {  	s30 =	rddreg [dreg:$0xa]  }
0x8a: {  	[tilespmem:s30], [sflag:$0x3] =	stream.indirect_vreg.gather [hbm4b:s10+s3], $0x80, v2, vm0, $0xb8;
	[tilespmem:$0x1C000] =	vst v63  }
0x8b: {  	s29 =	rddreg [dreg:$0xb]  }
0x8c: {  	[tilespmem:s29], [sflag:$0x3] =	stream.indirect_vreg.gather [hbm4b:s11+s3], $0x80, v2, vm0, $0xb8;
	[tilespmem:$0x1C000] =	vst v63  }
0x8d: {  	s30 =	rddreg [dreg:$0xc]  }
0x8e: {  	[tilespmem:s30], [sflag:$0x3] =	stream.indirect_vreg.gather [hbm4b:s12+s3], $0x80, v2, vm0, $0xb8;
	[tilespmem:$0x1C000] =	vst v63  }
0x8f: {  	s29 =	rddreg [dreg:$0xd]  }
0x90: {  	[tilespmem:s29], [sflag:$0x3] =	stream.indirect_vreg.gather [hbm4b:s13+s3], $0x80, v2, vm0, $0xb8;
	[tilespmem:$0x1C000] =	vst v63  }
0x91: {  	s30 =	rddreg [dreg:$0xe]  }
0x92: {  	[tilespmem:s30], [sflag:$0x3] =	stream.indirect_vreg.gather [hbm4b:s14+s3], $0x80, v2, vm0, $0xb8;
	[tilespmem:$0x1C000] =	vst v63  }
0x93: {  	s29 =	rddreg [dreg:$0xf]  }
0x94: {  	[tilespmem:s29], [sflag:$0x3] =	stream.indirect_vreg.gather [hbm4b:s15+s3], $0x80, v2, vm0, $0xb8;
	[tilespmem:$0x1C000] =	vst v63  }
0x95: {  	s30 =	rddreg [dreg:$0x10]  }
0x96: {  	[tilespmem:s30], [sflag:$0x3] =	stream.indirect_vreg.gather [hbm4b:s16+s3], $0x80, v2, vm0, $0xb8;
	[tilespmem:$0x1C000] =	vst v63  }
0x97: {  	s29 =	rddreg [dreg:$0x11]  }
0x98: {  	[tilespmem:s29], [sflag:$0x3] =	stream.indirect_vreg.gather [hbm4b:s17+s3], $0x80, v2, vm0, $0xb8;
	[tilespmem:$0x1C000] =	vst v63  }
0x99: {  	s30 =	rddreg [dreg:$0x12]  }
0x9a: {  	[tilespmem:s30], [sflag:$0x3] =	stream.indirect_vreg.gather [hbm4b:s18+s3], $0x80, v2, vm0, $0xb8;
	[tilespmem:$0x1C000] =	vst v63  }
0x9b: {  	s29 =	rddreg [dreg:$0x13]  }
0x9c: {  	[tilespmem:s29], [sflag:$0x3] =	stream.indirect_vreg.gather [hbm4b:s19+s3], $0x80, v2, vm0, $0xb8;
	[tilespmem:$0x1C000] =	vst v63  }
0x9d: {  	_ =	swait.ge [sflag:s4], $0x8000  }
0x9e: {  	[sflag:s4] =	ssyncset.done $0x0  }
0x9f: {  	s29 =	sadd.s32 $0x1000, s26;
	[sflag:s4] =	ssyncadd.s32 $0xFFFF8000  }
0xa0: {  	[hbm4b:s29+s3] =	stream.linear.scatter [tilespmem:s28], [sflag:$0x5], $0x8000, $0x38;
	[tilespmem:$0x1C000] =	vst v63  }
0xa1: {  	_ =	swait.ge [sflag:s20], $0x8000  }
0xa2: {  	[sflag:s20] =	ssyncset.done $0x0  }
0xa3: {  	[sflag:s20] =	ssyncadd.s32 $0xFFFF8000  }
0xa4: {  	v2 =	vld.msk [tilespmem:s23+$0xFFFFFF80], $0xff;
	_ =	sdelay $0x4  }
0xa5: {  	v3 =	vshll.u32 v2, $0x5  }
0xa6: {  	v2 =	vand.u32 $0x7, v2;
	v3 =	vand.u32 $0xFFFFFF00, v3  }
0xa7: {  	v2 =	vor.u32 v2, v3  }
0xa8: {  	v2 =	vperm.xlane v2, v0;
	_ =	sdelay $0x1  }
0xa9: {  	v2 =	vadd.s32 v1, v2;
	_ =	sdelay $0x4  }
0xaa: {  	[tilespmem:s24], [sflag:$0x1] =	stream.indirect_vreg.gather [hbm4b:s2+s3], $0x80, v2, vm0, $0xb8;
	[tilespmem:$0x1C000] =	vst v63  }
0xab: {  	s29 =	simm.s32 $0x4800  }
0xac: {  	[tilespmem:s29], [sflag:$0x1] =	stream.indirect_vreg.gather [hbm4b:s5+s3], $0x80, v2, vm0, $0xb8;
	[tilespmem:$0x1C000] =	vst v63  }
0xad: {  	s30 =	simm.s32 $0x5000  }
0xae: {  	[tilespmem:s30], [sflag:$0x1] =	stream.indirect_vreg.gather [hbm4b:s6+s3], $0x80, v2, vm0, $0xb8;
	[tilespmem:$0x1C000] =	vst v63  }
0xaf: {  	s31 =	simm.s32 $0x5800  }
0xb0: {  	[tilespmem:s31], [sflag:$0x1] =	stream.indirect_vreg.gather [hbm4b:s7+s3], $0x80, v2, vm0, $0xb8;
	[tilespmem:$0x1C000] =	vst v63  }
0xb1: {  	s31 =	simm.s32 $0x6000  }
0xb2: {  	[tilespmem:s31], [sflag:$0x1] =	stream.indirect_vreg.gather [hbm4b:s8+s3], $0x80, v2, vm0, $0xb8;
	[tilespmem:$0x1C000] =	vst v63  }
0xb3: {  	s31 =	simm.s32 $0x6800  }
0xb4: {  	[tilespmem:s31], [sflag:$0x1] =	stream.indirect_vreg.gather [hbm4b:s9+s3], $0x80, v2, vm0, $0xb8;
	[tilespmem:$0x1C000] =	vst v63  }
0xb5: {  	s31 =	simm.s32 $0x7000  }
0xb6: {  	[tilespmem:s31], [sflag:$0x1] =	stream.indirect_vreg.gather [hbm4b:s10+s3], $0x80, v2, vm0, $0xb8;
	[tilespmem:$0x1C000] =	vst v63  }
0xb7: {  	s31 =	simm.s32 $0x7800  }
0xb8: {  	[tilespmem:s31], [sflag:$0x1] =	stream.indirect_vreg.gather [hbm4b:s11+s3], $0x80, v2, vm0, $0xb8;
	[tilespmem:$0x1C000] =	vst v63  }
0xb9: {  	s31 =	simm.s32 $0x8000  }
0xba: {  	[tilespmem:s31], [sflag:$0x1] =	stream.indirect_vreg.gather [hbm4b:s12+s3], $0x80, v2, vm0, $0xb8;
	[tilespmem:$0x1C000] =	vst v63  }
0xbb: {  	s31 =	simm.s32 $0x8800  }
0xbc: {  	[tilespmem:s31], [sflag:$0x1] =	stream.indirect_vreg.gather [hbm4b:s13+s3], $0x80, v2, vm0, $0xb8;
	[tilespmem:$0x1C000] =	vst v63  }
0xbd: {  	s31 =	simm.s32 $0x9000  }
0xbe: {  	[tilespmem:s31], [sflag:$0x1] =	stream.indirect_vreg.gather [hbm4b:s14+s3], $0x80, v2, vm0, $0xb8;
	[tilespmem:$0x1C000] =	vst v63  }
0xbf: {  	s31 =	simm.s32 $0x9800  }
0xc0: {  	[tilespmem:s31], [sflag:$0x1] =	stream.indirect_vreg.gather [hbm4b:s15+s3], $0x80, v2, vm0, $0xb8;
	[tilespmem:$0x1C000] =	vst v63  }
0xc1: {  	s31 =	simm.s32 $0xA000  }
0xc2: {  	[tilespmem:s31], [sflag:$0x1] =	stream.indirect_vreg.gather [hbm4b:s16+s3], $0x80, v2, vm0, $0xb8;
	[tilespmem:$0x1C000] =	vst v63  }
0xc3: {  	s31 =	simm.s32 $0xA800  }
0xc4: {  	[tilespmem:s31], [sflag:$0x1] =	stream.indirect_vreg.gather [hbm4b:s17+s3], $0x80, v2, vm0, $0xb8;
	[tilespmem:$0x1C000] =	vst v63  }
0xc5: {  	s31 =	simm.s32 $0xB000  }
0xc6: {  	[tilespmem:s31], [sflag:$0x1] =	stream.indirect_vreg.gather [hbm4b:s18+s3], $0x80, v2, vm0, $0xb8;
	[tilespmem:$0x1C000] =	vst v63  }
0xc7: {  	s31 =	simm.s32 $0xB800  }
0xc8: {  	[tilespmem:s31], [sflag:$0x1] =	stream.indirect_vreg.gather [hbm4b:s19+s3], $0x80, v2, vm0, $0xb8;
	[tilespmem:$0x1C000] =	vst v63  }
0xc9: {  	_ =	swait.ge [sflag:s21], $0x8000  }
0xca: {  	[sflag:s21] =	ssyncset.done $0x0  }
0xcb: {  	s26 =	sadd.s32 $0x2000, s26;
	[sflag:s21] =	ssyncadd.s32 $0xFFFF8000  }
0xcc: {  	[hbm4b:s26+s3] =	stream.linear.scatter [tilespmem:s0], [sflag:$0x6], $0x8000, $0x38;
	[tilespmem:$0x1C000] =	vst v63  }
0xcd: {  	_ =	swait.ge [sflag:s22], $0x8000  }
0xce: {  	[sflag:s22] =	ssyncset.done $0x0  }
0xcf: {  	[sflag:s22] =	ssyncadd.s32 $0xFFFF8000  }
0xd0: {  	v2 =	vld.msk [tilespmem:s23+$0x0], $0xff;
	_ =	sdelay $0x4  }
0xd1: {  	v3 =	vshll.u32 v2, $0x5  }
0xd2: {  	v2 =	vand.u32 $0x7, v2;
	v3 =	vand.u32 $0xFFFFFF00, v3  }
0xd3: {  	v2 =	vor.u32 v2, v3  }
0xd4: {  	v2 =	vperm.xlane v2, v0;
	_ =	sdelay $0x1  }
0xd5: {  	v2 =	vadd.s32 v1, v2;
	_ =	sdelay $0x4  }
0xd6: {  	[tilespmem:s28], [sflag:$0x2] =	stream.indirect_vreg.gather [hbm4b:s2+s3], $0x80, v2, vm0, $0xb8;
	[tilespmem:$0x1C000] =	vst v63  }
0xd7: {  	s31 =	simm.s32 $0xC800  }
0xd8: {  	[tilespmem:s31], [sflag:$0x2] =	stream.indirect_vreg.gather [hbm4b:s5+s3], $0x80, v2, vm0, $0xb8;
	[tilespmem:$0x1C000] =	vst v63  }
0xd9: {  	s31 =	simm.s32 $0xD000  }
0xda: {  	[tilespmem:s31], [sflag:$0x2] =	stream.indirect_vreg.gather [hbm4b:s6+s3], $0x80, v2, vm0, $0xb8;
	[tilespmem:$0x1C000] =	vst v63  }
0xdb: {  	s31 =	simm.s32 $0xD800  }
0xdc: {  	[tilespmem:s31], [sflag:$0x2] =	stream.indirect_vreg.gather [hbm4b:s7+s3], $0x80, v2, vm0, $0xb8;
	[tilespmem:$0x1C000] =	vst v63  }
0xdd: {  	s31 =	simm.s32 $0xE000  }
0xde: {  	[tilespmem:s31], [sflag:$0x2] =	stream.indirect_vreg.gather [hbm4b:s8+s3], $0x80, v2, vm0, $0xb8;
	[tilespmem:$0x1C000] =	vst v63  }
0xdf: {  	s31 =	simm.s32 $0xE800  }
0xe0: {  	[tilespmem:s31], [sflag:$0x2] =	stream.indirect_vreg.gather [hbm4b:s9+s3], $0x80, v2, vm0, $0xb8;
	[tilespmem:$0x1C000] =	vst v63  }
0xe1: {  	s31 =	simm.s32 $0xF000  }
0xe2: {  	[tilespmem:s31], [sflag:$0x2] =	stream.indirect_vreg.gather [hbm4b:s10+s3], $0x80, v2, vm0, $0xb8;
	[tilespmem:$0x1C000] =	vst v63  }
0xe3: {  	s31 =	simm.s32 $0xF800  }
0xe4: {  	[tilespmem:s31], [sflag:$0x2] =	stream.indirect_vreg.gather [hbm4b:s11+s3], $0x80, v2, vm0, $0xb8;
	[tilespmem:$0x1C000] =	vst v63  }
0xe5: {  	s31 =	simm.s32 $0x10000  }
0xe6: {  	[tilespmem:s31], [sflag:$0x2] =	stream.indirect_vreg.gather [hbm4b:s12+s3], $0x80, v2, vm0, $0xb8;
	[tilespmem:$0x1C000] =	vst v63  }
0xe7: {  	s31 =	simm.s32 $0x10800  }
0xe8: {  	[tilespmem:s31], [sflag:$0x2] =	stream.indirect_vreg.gather [hbm4b:s13+s3], $0x80, v2, vm0, $0xb8;
	[tilespmem:$0x1C000] =	vst v63  }
0xe9: {  	s31 =	simm.s32 $0x11000  }
0xea: {  	[tilespmem:s31], [sflag:$0x2] =	stream.indirect_vreg.gather [hbm4b:s14+s3], $0x80, v2, vm0, $0xb8;
	[tilespmem:$0x1C000] =	vst v63  }
0xeb: {  	s31 =	simm.s32 $0x11800  }
0xec: {  	[tilespmem:s31], [sflag:$0x2] =	stream.indirect_vreg.gather [hbm4b:s15+s3], $0x80, v2, vm0, $0xb8;
	[tilespmem:$0x1C000] =	vst v63  }
0xed: {  	s25 =	sadd.s32 $0x3000, s25;
	s31 =	simm.s32 $0x12000  }
0xee: {  	[tilespmem:s31], [sflag:$0x2] =	stream.indirect_vreg.gather [hbm4b:s16+s3], $0x80, v2, vm0, $0xb8;
	[tilespmem:$0x1C000] =	vst v63  }
0xef: {  	p0 =	sne.s32 s25, $0x7E000;
	s31 =	simm.s32 $0x12800  }
0xf0: {  	[tilespmem:s31], [sflag:$0x2] =	stream.indirect_vreg.gather [hbm4b:s17+s3], $0x80, v2, vm0, $0xb8;
	[tilespmem:$0x1C000] =	vst v63  }
.Ltmp0:
0xf1: {  	_ = 	snop;
	(pc) =	sbr.rel @p0 .LBB2_2-.Ltmp0, $4  }
0xf2: {  	s31 =	simm.s32 $0x13000  }
0xf3: {  	[tilespmem:s31], [sflag:$0x2] =	stream.indirect_vreg.gather [hbm4b:s18+s3], $0x80, v2, vm0, $0xb8;
	[tilespmem:$0x1C000] =	vst v63  }
0xf4: {  	s23 =	sadd.s32 $0x180, s23;
	s31 =	simm.s32 $0x13800  }
0xf5: {  	[tilespmem:s31], [sflag:$0x2] =	stream.indirect_vreg.gather [hbm4b:s19+s3], $0x80, v2, vm0, $0xb8;
	[tilespmem:$0x1C000] =	vst v63  }
0xf6: {  	_ =	swait.ge [sflag:s1], $0x8000  }
0xf7: {  	[sflag:s1] =	ssyncset.done $0x0  }
0xf8: {  	s23 =	rddreg [dreg:$0x15];
	[sflag:s1] =	ssyncadd.s32 $0xFFFF8000  }
0xf9: {  	[hbm4b:s23+s3] =	stream.linear.scatter [tilespmem:s24], [sflag:$0x4], $0x8000, $0x38;
	[tilespmem:$0x1C000] =	vst v63  }
0xfa: {  	_ =	swait.ge [sflag:s4], $0x8000  }
0xfb: {  	[sflag:s4] =	ssyncset.done $0x0  }
0xfc: {  	s25 =	simm.s32 $0x6;
	s26 =	rddreg [dreg:$0x16];
	[sflag:s4] =	ssyncadd.s32 $0xFFFF8000  }
0xfd: {  	[hbm4b:s26+s3] =	stream.linear.scatter [tilespmem:s28], [sflag:$0x5], $0x8000, $0x38;
	[tilespmem:$0x1C000] =	vst v63  }
0xfe: {  	_ =	swait.ge [sflag:s25], $0x8000  }
0xff: {  	[sflag:s25] =	ssyncset.done $0x0  }
0x100: {  	[sflag:s25] =	ssyncadd.s32 $0xFFFF8000  }
0x101: {  	_ =	swait.ge [sflag:s20], $0x8000  }
0x102: {  	[sflag:s20] =	ssyncset.done $0x0  }
0x103: {  	[sflag:s20] =	ssyncadd.s32 $0xFFFF8000  }
0x104: {  	_ =	swait.ge [sflag:s22], $0x8000  }
0x105: {  	s25 =	rddreg [dreg:$0x18]  }
0x106: {  	s26 =	rddreg [dreg:$0x17];
	s25 =	sadd.s32 $0x1, s25  }
0x107: {  	p0 =	sne.s32 s25, s26  }
.Ltmp1:
0x108: {  	_ = 	snop;
	(pc) =	sbr.rel @p0 .LBB2_1-.Ltmp1, $4  }
0x109: {  	_ = 	snop  }
0x10a: {  	[sflag:s22] =	ssyncset.done $0x0  }
0x10b: {  	s31 =	simm.s32 $0x6800;
	[sflag:s22] =	ssyncadd.s32 $0xFFFF8000  }
0x10c: {  	[dreg:$0x18] =	wrdreg s25;
	s25 =	simm.s32 $0x5800;
	s26 =	simm.s32 $0x6000  }
0x10d: {  	_ =	sfence.sel $0x180000  }
0x10e: {  	[bflag:$0x0] =	sbarrier.arrive $0xFFFF  }
0x10f: {  	_ =	strace $0x90000047  }
0x110: {  	s0 =	stileid.u32;
	[bflag:$0x2] =	sbarrier.arrive $0xFFFF  }
0x111: {  	p0 =	sne.s32 s0, $0x0;
	s0 =	rddreg [dreg:$0x3]  }
0x112: {  	s0 =	sadd.s32 @!p0 $0x100000, s0  }
0x113: {  	[sflag:s0] =	ssyncadd.tile.s32 @!p0 $0x1;
	_ =	shalt  }
.Lfunc_end2:
_tile_overlayer_lowered:
.L_overlay_start_2:
0x114: {  	(tag) =	ssettag $0x2  }
0x115: {  	s0 =	rddreg [dreg:$0x0];
	s2 =	stileid.u32  }
0x116: {  	s1 =	rddreg [dreg:$0x1];
	p0 =	sne.s32 s2, $0x0  }
0x117: {  	s3 =	rddreg [dreg:$0x2];
	[bflag:$0x3] =	sbarrier.arrive $0xFFFF;
	s2 =	simm.s32 @!p0 $0x1C07  }
0x118: {  	[timem:s3], [sflag:s2] =	dma.local @!p0 [hbm:s0], s1  }
0x119: {  	s0 =	simm.s32 @!p0 $0x7  }
0x11a: {  	_ =	swait.ge @!p0 [sflag:s0], s1  }
0x11b: {  	s1 =	ssub.s32 @!p0 $0x0, s1;
	[sflag:s0] =	ssyncset.done @!p0 $0x0  }
0x11c: {  	[sflag:s0] =	ssyncadd.s32 @!p0 s1  }
0x11d: {  	[bflag:$0x3] =	sbarrier.arrive $0xFFFF  }
0x11e: {  	_ =	shalt  }

</sc_bundles>
